<compile_context>
chip_gen: v7x
topology: tpu7x:2x2x1
jax: 0.10.2.dev20260603
libtpu: 0.0.44.dev20260713+nightly
codegen_flags: <defaults>
</compile_context>

<pallas_src>
import functools

import jax
import jax.numpy as jnp
from jax.experimental import pallas as pl

_ALPHA = 0.5
_MARGIN = 0.1
_NUM_SAMPLES = 5000
_LANES = 128
_BLOCK_ROWS = 2048
_PAD_ROWS = 40


def _rank_reduce_kernel(t_ref, o_ref, s_ref, n_ref):
    i = pl.program_id(0)

    @pl.when(i == 0)
    def _init():
        s_ref[...] = jnp.zeros_like(s_ref)
        n_ref[...] = jnp.zeros_like(n_ref)

    t = (t_ref[...] == 1).astype(jnp.float32)
    r = o_ref[...].astype(jnp.float32) + 1.0
    s_ref[...] = s_ref[...] + jnp.sum(t * r)
    n_ref[...] = n_ref[...] + jnp.sum(t)


def _pair_loss_kernel(s0_ref, s1_ref, v_ref, ssum_ref, npos_ref, o_ref, *, length):
    v = v_ref[...]
    diff = s0_ref[...] - s1_ref[...]
    hit = jnp.where((diff < _MARGIN) & (v > 0.0), 1.0, 0.0).astype(jnp.float32)
    vp = jnp.sum(hit)
    cnt = jnp.sum(v)
    l_sort = jnp.where(cnt > 0.0, vp / jnp.maximum(cnt, 1.0), jnp.float32(0.0))
    npos = jnp.sum(npos_ref[...])
    l_rank = jnp.sum(ssum_ref[...]) / jnp.maximum(npos, 1.0) / jnp.float32(length)
    out = l_rank + jnp.float32(_ALPHA) * l_sort
    o_ref[...] = jnp.where(npos < 2.0, jnp.zeros_like(o_ref), jnp.full_like(o_ref[...], out))


def kernel(pred, target):
    length = pred.size
    pred_flat = pred.reshape(-1)
    pred_s = jax.nn.sigmoid(pred_flat).astype(jnp.float32)
    tgt_flat = target.reshape(-1)
    pos_mask = tgt_flat == 1

    order = jnp.argsort(-pred_s)

    rows = length // _LANES
    t2d = tgt_flat.reshape(rows, _LANES)
    o2d = order.reshape(rows, _LANES)
    grid = rows // _BLOCK_ROWS

    ssum, npos = pl.pallas_call(
        _rank_reduce_kernel,
        grid=(grid,),
        in_specs=[
            pl.BlockSpec((_BLOCK_ROWS, _LANES), lambda i: (i, 0)),
            pl.BlockSpec((_BLOCK_ROWS, _LANES), lambda i: (i, 0)),
        ],
        out_specs=[
            pl.BlockSpec((1, 1), lambda i: (0, 0)),
            pl.BlockSpec((1, 1), lambda i: (0, 0)),
        ],
        out_shape=[
            jax.ShapeDtypeStruct((1, 1), jnp.float32),
            jax.ShapeDtypeStruct((1, 1), jnp.float32),
        ],
    )(t2d, o2d)

    num_pos = npos[0, 0].astype(jnp.int32)
    num_pos_safe = jnp.maximum(num_pos, 1)
    idx = jax.random.randint(jax.random.key(42), (2, _NUM_SAMPLES), 0, num_pos_safe)
    csum = jnp.cumsum(pos_mask.astype(jnp.int32))
    g = jnp.clip(jnp.searchsorted(csum, idx + 1, side="left"), 0, length - 1)
    s0 = pred_s[g[0]]
    s1 = pred_s[g[1]]
    valid = (idx[0] != idx[1]).astype(jnp.float32)

    pad = _PAD_ROWS * _LANES

    def _pad2d(x):
        return (
            jnp.zeros((pad,), jnp.float32)
            .at[:_NUM_SAMPLES]
            .set(x)
            .reshape(_PAD_ROWS, _LANES)
        )

    out = pl.pallas_call(
        functools.partial(_pair_loss_kernel, length=length),
        out_shape=jax.ShapeDtypeStruct((1, 1), jnp.float32),
    )(_pad2d(s0), _pad2d(s1), _pad2d(valid), ssum, npos)
    return out[0, 0]

# --- scband reference (transcript-rebuilt; emitter-appended) ---
"""Pipeline reference for scband-rank-edloss-69758858822036 (READ-ONLY COPY).

The authoritative reference and input builder live on the scoring server;
editing this copy changes nothing except your own understanding.
"""

import jax, jax.numpy as jnp
import numpy as np

ALPHA = 0.5
MARGIN = 0.1
NUM_SAMPLES = 5000


def setup_inputs(seed: int = 0) -> dict:
    key = jax.random.key(seed)
    k1, k2 = jax.random.split(key)
    pred = jax.random.normal(k1, (16, 512, 512), dtype=jnp.float32)
    target = jax.random.randint(k2, (16, 512, 512), 0, 2, dtype=jnp.int32)
    return {"pred": pred, "target": target}


def reference(pred, target):
    pred_s = jax.nn.sigmoid(pred).astype(jnp.float32)
    tgt = target.astype(jnp.float32)
    pred_flat = pred_s.reshape(-1)
    target_flat = tgt.reshape(-1)
    pos_mask = target_flat == 1
    num_pos = pos_mask.sum()
    L = pred_flat.shape[0]
    # descending sort indices (matches torch.sort(descending=True))
    order = jnp.argsort(-pred_flat)
    ranks = jnp.arange(1, L + 1, dtype=jnp.float32)[order]
    num_pos_safe = jnp.maximum(num_pos, 1)
    l_rank = (ranks * pos_mask.astype(jnp.float32)).sum() / num_pos_safe.astype(jnp.float32) / L
    pos_order = jnp.argsort(jnp.logical_not(pos_mask))
    pos_scores = pred_flat[pos_order]
    kr = jax.random.key(42)
    idx = jax.random.randint(kr, (2, NUM_SAMPLES), 0, num_pos_safe)
    valid = idx[0] != idx[1]
    pred_diff = pos_scores[idx[0]] - pos_scores[idx[1]]
    valid_pairs = jnp.logical_and(pred_diff < MARGIN, valid).astype(jnp.float32)
    cnt = valid.sum().astype(jnp.float32)
    l_sort = jnp.where(cnt > 0, valid_pairs.sum() / jnp.maximum(cnt, 1.0), jnp.float32(0.0))
    out = l_rank + ALPHA * l_sort
    return jnp.where(num_pos < 2, jnp.float32(0.0), out).astype(jnp.float32)

if __name__ == "__main__":
    import jax
    _d = setup_inputs()
    print(jax.jit(kernel)(*tuple(_d.values())))

</pallas_src>

<mosaic_0001>
module attributes {stable_mosaic.version = 14 : i64} {
  func.func @_rank_reduce_kernel(%arg0: i32, %arg1: memref<2048x128xi32, #tpu.memory_space<vmem>>, %arg2: memref<2048x128xi32, #tpu.memory_space<vmem>>, %arg3: memref<1x1xf32, #tpu.memory_space<vmem>>, %arg4: memref<1x1xf32, #tpu.memory_space<vmem>>) attributes {dimension_semantics = [#tpu.dimension_semantics<arbitrary>], iteration_bounds = array<i64: 16>, scalar_prefetch = 0 : i64, scratch_operands = 0 : i64, tpu.core_type = #tpu.core_type<tc>, window_params = [{transform_indices = @transform_0, window_bounds = array<i64: 2048, 128>}, {transform_indices = @transform_1, window_bounds = array<i64: 2048, 128>}, {pipeline_mode = #tpu.pipeline_mode<synchronous>, transform_indices = @transform_2, window_bounds = array<i64: 1, 1>}, {pipeline_mode = #tpu.pipeline_mode<synchronous>, transform_indices = @transform_3, window_bounds = array<i64: 1, 1>}]} {
    %eq3A = arith.constant 0 : i32
    %eq3A_0 = arith.cmpi eq, %arg0, %eq3A : i32
    %convert_element_type3A = arith.extui %eq3A_0 : i1 to i32
    %cond3A = arith.constant 0 : i32
    %cond3A_1 = arith.cmpi ne, %convert_element_type3A, %cond3A : i32
    scf.if %cond3A_1 {
      %broadcast_in_dim3A = arith.constant 0.000000e+00 : f32
      %broadcast_in_dim3A_39 = vector.broadcast %broadcast_in_dim3A : f32 to vector<1x1xf32>
      %swap3A_40 = arith.constant 0 : index
      %swap3A_41 = arith.constant 0 : index
      %swap3A_42 = vector.load %arg3[%swap3A_40, %swap3A_41] : memref<1x1xf32, #tpu.memory_space<vmem>>, vector<1x1xf32>
      tpu.vector_store %arg3[%swap3A_40, %swap3A_41], %broadcast_in_dim3A_39 {strides = array<i32>} : memref<1x1xf32, #tpu.memory_space<vmem>>, vector<1x1xf32>,
      %broadcast_in_dim3A_43 = arith.constant 0.000000e+00 : f32
      %broadcast_in_dim3A_44 = vector.broadcast %broadcast_in_dim3A_43 : f32 to vector<1x1xf32>
      %swap3A_45 = arith.constant 0 : index
      %swap3A_46 = arith.constant 0 : index
      %swap3A_47 = vector.load %arg4[%swap3A_45, %swap3A_46] : memref<1x1xf32, #tpu.memory_space<vmem>>, vector<1x1xf32>
      tpu.vector_store %arg4[%swap3A_45, %swap3A_46], %broadcast_in_dim3A_44 {strides = array<i32>} : memref<1x1xf32, #tpu.memory_space<vmem>>, vector<1x1xf32>,
    } else {
    }
    %get3A = arith.constant 0 : index
    %get3A_2 = arith.constant 0 : index
    %get3A_3 = vector.load %arg1[%get3A, %get3A_2] : memref<2048x128xi32, #tpu.memory_space<vmem>>, vector<2048x128xi32>
    %eq3A_4 = arith.constant 1 : i32
    %eq3A_5 = vector.broadcast %eq3A_4 : i32 to vector<2048x128xi32>
    %eq3A_6 = arith.cmpi eq, %get3A_3, %eq3A_5 : vector<2048x128xi32>
    %convert_element_type3A_7 = arith.extui %eq3A_6 : vector<2048x128xi1> to vector<2048x128xi32>
    %convert_element_type3A_8 = arith.sitofp %convert_element_type3A_7 : vector<2048x128xi32> to vector<2048x128xf32>
    %get3A_9 = arith.constant 0 : index
    %get3A_10 = arith.constant 0 : index
    %get3A_11 = vector.load %arg2[%get3A_9, %get3A_10] : memref<2048x128xi32, #tpu.memory_space<vmem>>, vector<2048x128xi32>
    %convert_element_type3A_12 = arith.sitofp %get3A_11 : vector<2048x128xi32> to vector<2048x128xf32>
    %add3A = arith.constant 1.000000e+00 : f32
    %add3A_13 = vector.broadcast %add3A : f32 to vector<2048x128xf32>
    %add3A_14 = arith.addf %convert_element_type3A_12, %add3A_13 : vector<2048x128xf32>
    %get3A_15 = arith.constant 0 : index
    %get3A_16 = arith.constant 0 : index
    %get3A_17 = vector.load %arg3[%get3A_15, %get3A_16] : memref<1x1xf32, #tpu.memory_space<vmem>>, vector<1x1xf32>
    %mul3A = arith.mulf %convert_element_type3A_8, %add3A_14 : vector<2048x128xf32>
    %reduce_sum3A = vector.shape_cast %mul3A : vector<2048x128xf32> to vector<1x2048x128xf32>
    %reduce_sum3A_18 = arith.constant dense<0.000000e+00> : vector<1xf32>
    %reduce_sum3A_19 = vector.multi_reduction <add>, %reduce_sum3A, %reduce_sum3A_18 [1, 2] : vector<1x2048x128xf32> to vector<1xf32>
    %reduce_sum3A_20 = vector.shape_cast %reduce_sum3A_19 : vector<1xf32> to vector<1x1x1xf32>
    %reduce_sum3A_21 = vector.extract %reduce_sum3A_20[0, 0, 0] : f32 from vector<1x1x1xf32>
    %add3A_22 = vector.broadcast %reduce_sum3A_21 : f32 to vector<1x1xf32>
    %add3A_23 = arith.addf %get3A_17, %add3A_22 : vector<1x1xf32>
    %swap3A = arith.constant 0 : index
    %swap3A_24 = arith.constant 0 : index
    %swap3A_25 = vector.load %arg3[%swap3A, %swap3A_24] : memref<1x1xf32, #tpu.memory_space<vmem>>, vector<1x1xf32>
    tpu.vector_store %arg3[%swap3A, %swap3A_24], %add3A_23 {strides = array<i32>} : memref<1x1xf32, #tpu.memory_space<vmem>>, vector<1x1xf32>,
    %get3A_26 = arith.constant 0 : index
    %get3A_27 = arith.constant 0 : index
    %get3A_28 = vector.load %arg4[%get3A_26, %get3A_27] : memref<1x1xf32, #tpu.memory_space<vmem>>, vector<1x1xf32>
    %reduce_sum3A_29 = vector.shape_cast %convert_element_type3A_8 : vector<2048x128xf32> to vector<1x2048x128xf32>
    %reduce_sum3A_30 = arith.constant dense<0.000000e+00> : vector<1xf32>
    %reduce_sum3A_31 = vector.multi_reduction <add>, %reduce_sum3A_29, %reduce_sum3A_30 [1, 2] : vector<1x2048x128xf32> to vector<1xf32>
    %reduce_sum3A_32 = vector.shape_cast %reduce_sum3A_31 : vector<1xf32> to vector<1x1x1xf32>
    %reduce_sum3A_33 = vector.extract %reduce_sum3A_32[0, 0, 0] : f32 from vector<1x1x1xf32>
    %add3A_34 = vector.broadcast %reduce_sum3A_33 : f32 to vector<1x1xf32>
    %add3A_35 = arith.addf %get3A_28, %add3A_34 : vector<1x1xf32>
    %swap3A_36 = arith.constant 0 : index
    %swap3A_37 = arith.constant 0 : index
    %swap3A_38 = vector.load %arg4[%swap3A_36, %swap3A_37] : memref<1x1xf32, #tpu.memory_space<vmem>>, vector<1x1xf32>
    tpu.vector_store %arg4[%swap3A_36, %swap3A_37], %add3A_35 {strides = array<i32>} : memref<1x1xf32, #tpu.memory_space<vmem>>, vector<1x1xf32>,
    return
  }
  func.func @transform_0(%arg0: i32) -> (i32, i32) {
    %c0_i32 = arith.constant 0 : i32
    %c0_i32_0 = arith.constant 0 : i32
    return %arg0, %c0_i32 : i32, i32
  }
  func.func @transform_1(%arg0: i32) -> (i32, i32) {
    %c0_i32 = arith.constant 0 : i32
    %c0_i32_0 = arith.constant 0 : i32
    return %arg0, %c0_i32 : i32, i32
  }
  func.func @transform_2(%arg0: i32) -> (i32, i32) {
    %c0_i32 = arith.constant 0 : i32
    %c0_i32_0 = arith.constant 0 : i32
    %c0_i32_1 = arith.constant 0 : i32
    return %c0_i32, %c0_i32_0 : i32, i32
  }
  func.func @transform_3(%arg0: i32) -> (i32, i32) {
    %c0_i32 = arith.constant 0 : i32
    %c0_i32_0 = arith.constant 0 : i32
    %c0_i32_1 = arith.constant 0 : i32
    return %c0_i32, %c0_i32_0 : i32, i32
  }
}

module attributes {stable_mosaic.version = 14 : i64} {
  func.func @_pair_loss_kernel(%arg0: memref<40x128xf32, #tpu.memory_space<vmem>>, %arg1: memref<40x128xf32, #tpu.memory_space<vmem>>, %arg2: memref<40x128xf32, #tpu.memory_space<vmem>>, %arg3: memref<1x1xf32, #tpu.memory_space<vmem>>, %arg4: memref<1x1xf32, #tpu.memory_space<vmem>>, %arg5: memref<1x1xf32, #tpu.memory_space<vmem>>) attributes {dimension_semantics = [], scalar_prefetch = 0 : i64, scratch_operands = 0 : i64, tpu.core_type = #tpu.core_type<tc>} {
    %get3A = arith.constant 0 : index
    %get3A_0 = arith.constant 0 : index
    %get3A_1 = vector.load %arg2[%get3A, %get3A_0] : memref<40x128xf32, #tpu.memory_space<vmem>>, vector<40x128xf32>
    %get3A_2 = arith.constant 0 : index
    %get3A_3 = arith.constant 0 : index
    %get3A_4 = vector.load %arg0[%get3A_2, %get3A_3] : memref<40x128xf32, #tpu.memory_space<vmem>>, vector<40x128xf32>
    %get3A_5 = arith.constant 0 : index
    %get3A_6 = arith.constant 0 : index
    %get3A_7 = vector.load %arg1[%get3A_5, %get3A_6] : memref<40x128xf32, #tpu.memory_space<vmem>>, vector<40x128xf32>
    %sub3A = arith.subf %get3A_4, %get3A_7 : vector<40x128xf32>
    %lt3A = arith.constant 1.000000e-01 : f32
    %lt3A_8 = vector.broadcast %lt3A : f32 to vector<40x128xf32>
    %lt3A_9 = arith.cmpf olt, %sub3A, %lt3A_8 : vector<40x128xf32>
    %gt3A = arith.constant 0.000000e+00 : f32
    %gt3A_10 = vector.broadcast %gt3A : f32 to vector<40x128xf32>
    %gt3A_11 = arith.cmpf ogt, %get3A_1, %gt3A_10 : vector<40x128xf32>
    %and3A = arith.andi %lt3A_9, %gt3A_11 : vector<40x128xi1>
    %jit3A = arith.constant 1.000000e+00 : f32
    %jit3A_12 = arith.constant 0.000000e+00 : f32
    %broadcast_in_dim3A = vector.broadcast %jit3A : f32 to vector<40x128xf32>
    %broadcast_in_dim3A_13 = vector.broadcast %jit3A_12 : f32 to vector<40x128xf32>
    %select_n3A = arith.select %and3A, %broadcast_in_dim3A, %broadcast_in_dim3A_13 : vector<40x128xi1>, vector<40x128xf32>
    %reduce_sum3A = vector.shape_cast %select_n3A : vector<40x128xf32> to vector<1x40x128xf32>
    %reduce_sum3A_14 = arith.constant dense<0.000000e+00> : vector<1xf32>
    %reduce_sum3A_15 = vector.multi_reduction <add>, %reduce_sum3A, %reduce_sum3A_14 [1, 2] : vector<1x40x128xf32> to vector<1xf32>
    %reduce_sum3A_16 = vector.shape_cast %reduce_sum3A_15 : vector<1xf32> to vector<1x1x1xf32>
    %reduce_sum3A_17 = vector.extract %reduce_sum3A_16[0, 0, 0] : f32 from vector<1x1x1xf32>
    %reduce_sum3A_18 = vector.shape_cast %get3A_1 : vector<40x128xf32> to vector<1x40x128xf32>
    %reduce_sum3A_19 = arith.constant dense<0.000000e+00> : vector<1xf32>
    %reduce_sum3A_20 = vector.multi_reduction <add>, %reduce_sum3A_18, %reduce_sum3A_19 [1, 2] : vector<1x40x128xf32> to vector<1xf32>
    %reduce_sum3A_21 = vector.shape_cast %reduce_sum3A_20 : vector<1xf32> to vector<1x1x1xf32>
    %reduce_sum3A_22 = vector.extract %reduce_sum3A_21[0, 0, 0] : f32 from vector<1x1x1xf32>
    %gt3A_23 = arith.constant 0.000000e+00 : f32
    %gt3A_24 = arith.cmpf ogt, %reduce_sum3A_22, %gt3A_23 : f32
    %max3A = arith.constant 1.000000e+00 : f32
    %max3A_25 = arith.maximumf %reduce_sum3A_22, %max3A : f32
    %div3A = arith.divf %reduce_sum3A_17, %max3A_25 : f32
    %jit3A_26 = arith.constant 0.000000e+00 : f32
    %select_n3A_27 = arith.select %gt3A_24, %div3A, %jit3A_26 : f32
    %get3A_28 = arith.constant 0 : index
    %get3A_29 = arith.constant 0 : index
    %get3A_30 = vector.load %arg4[%get3A_28, %get3A_29] : memref<1x1xf32, #tpu.memory_space<vmem>>, vector<1x1xf32>
    %reduce_sum3A_31 = vector.shape_cast %get3A_30 : vector<1x1xf32> to vector<1x1x1xf32>
    %reduce_sum3A_32 = arith.constant dense<0.000000e+00> : vector<1xf32>
    %reduce_sum3A_33 = vector.multi_reduction <add>, %reduce_sum3A_31, %reduce_sum3A_32 [1, 2] : vector<1x1x1xf32> to vector<1xf32>
    %reduce_sum3A_34 = vector.shape_cast %reduce_sum3A_33 : vector<1xf32> to vector<1x1x1xf32>
    %reduce_sum3A_35 = vector.extract %reduce_sum3A_34[0, 0, 0] : f32 from vector<1x1x1xf32>
    %get3A_36 = arith.constant 0 : index
    %get3A_37 = arith.constant 0 : index
    %get3A_38 = vector.load %arg3[%get3A_36, %get3A_37] : memref<1x1xf32, #tpu.memory_space<vmem>>, vector<1x1xf32>
    %reduce_sum3A_39 = vector.shape_cast %get3A_38 : vector<1x1xf32> to vector<1x1x1xf32>
    %reduce_sum3A_40 = arith.constant dense<0.000000e+00> : vector<1xf32>
    %reduce_sum3A_41 = vector.multi_reduction <add>, %reduce_sum3A_39, %reduce_sum3A_40 [1, 2] : vector<1x1x1xf32> to vector<1xf32>
    %reduce_sum3A_42 = vector.shape_cast %reduce_sum3A_41 : vector<1xf32> to vector<1x1x1xf32>
    %reduce_sum3A_43 = vector.extract %reduce_sum3A_42[0, 0, 0] : f32 from vector<1x1x1xf32>
    %max3A_44 = arith.constant 1.000000e+00 : f32
    %max3A_45 = arith.maximumf %reduce_sum3A_35, %max3A_44 : f32
    %div3A_46 = arith.divf %reduce_sum3A_43, %max3A_45 : f32
    %div3A_47 = arith.constant 0x4A800000 : f32
    %div3A_48 = arith.divf %div3A_46, %div3A_47 : f32
    %mul3A = arith.constant 5.000000e-01 : f32
    %mul3A_49 = arith.mulf %mul3A, %select_n3A_27 : f32
    %add3A = arith.addf %div3A_48, %mul3A_49 : f32
    %lt3A_50 = arith.constant 2.000000e+00 : f32
    %lt3A_51 = arith.cmpf olt, %reduce_sum3A_35, %lt3A_50 : f32
    %broadcast_in_dim3A_52 = arith.constant 0.000000e+00 : f32
    %broadcast_in_dim3A_53 = vector.broadcast %broadcast_in_dim3A_52 : f32 to vector<1x1xf32>
    %broadcast_in_dim3A_54 = vector.broadcast %add3A : f32 to vector<1x1xf32>
    %select_n3A_55 = arith.select %lt3A_51, %broadcast_in_dim3A_53, %broadcast_in_dim3A_54 : vector<1x1xf32>
    %swap3A = arith.constant 0 : index
    %swap3A_56 = arith.constant 0 : index
    %swap3A_57 = vector.load %arg5[%swap3A, %swap3A_56] : memref<1x1xf32, #tpu.memory_space<vmem>>, vector<1x1xf32>
    tpu.vector_store %arg5[%swap3A, %swap3A_56], %select_n3A_55 {strides = array<i32>} : memref<1x1xf32, #tpu.memory_space<vmem>>, vector<1x1xf32>,
    return
  }
}

</mosaic_0001>

<sc_bundles>
// kernel: gather_offload_async_start.1
scs
__scs_entry_jumppad:
0x0: {  	(pc) =	sbr.rel $0x88, $3  }
0x1: {  	(tag) =	ssettag $0x0;
	lr =	simm.s32 $0x1  }
0x2: {  	[smem:$0x3F9F] =	sst lr;
	_ =	strace $0xD0000000  }
0x3: {  	_ = 	snop  }
0x4: {  	_ = 	snop  }
0x5: {  	_ = 	snop  }
0x6: {  	_ = 	snop  }
0x7: {  	_ = 	snop  }
__scs_overlays_trampoline_lowered:
0x8: {  	[smem:$0x3FAE] =	sst s0  }
0x9: {  	[smem:$0x3FAF] =	sst s1  }
0xa: {  	[smem:$0x3FB0] =	sst s2  }
0xb: {  	[smem:$0x3FB1] =	sst s3  }
0xc: {  	[smem:$0x3FB2] =	sst s4  }
0xd: {  	[smem:$0x3FB3] =	sst s5  }
0xe: {  	[smem:$0x3FB4] =	sst s6  }
0xf: {  	[smem:$0x3FB5] =	sst s7  }
0x10: {  	[smem:$0x3FB6] =	sst s8  }
0x11: {  	[smem:$0x3FB7] =	sst s9;
	s0 =	simm.s32 @!p0 $0x0  }
0x12: {  	s1 =	sld [smem:$0x3F9D];
	s0 =	simm.s32 @p0 $0x1  }
0x13: {  	[smem:$0x3FB8] =	sst s0;
	s0 =	simm.s32 @!p1 $0x0  }
0x14: {  	s2 =	sld [smem:$0x3F9C];
	s0 =	simm.s32 @p1 $0x1  }
0x15: {  	[smem:$0x3FB9] =	sst s0;
	s0 =	simm.s32 @!p2 $0x0  }
0x16: {  	s3 =	sld [smem:$0x3FDB];
	s0 =	simm.s32 @p2 $0x1  }
0x17: {  	s4 =	simm.s32 $0x1BF5;
	[smem:$0x3FBB] =	sst s0  }
0x18: {  	s0 =	sld [smem:$0x3F9E];
	_ =	swait.ge [sflag:s4], $0x0  }
0x19: {  	s7 =	sld [smem:$0x3F9F]  }
0x1a: {  	s8 =	sadd.s32 $0xFFFFE003, lr  }
0x1b: {  	s9 =	sadd.s32 $0xFFFFFEF7, lr;
	s5 =	simm.s32 $0xFFFFFFFF;
	p2 =	slt.u32 s8, $0xFFFFF086  }
0x1c: {  	p1 =	slt.u32 s9, $0xF7A;
	s5 =	simm.s32 @!p2 $0x0  }
0x1d: {  	s5 =	simm.s32 @p1 $0x1;
	p0 =	seq.s32 s7, s2  }
0x1e: {  	s7 =	smul.u32 @!p0 $0xF7A, s2;
	p2 =	seq.s32 @!p0 s5, $0x0  }
0x1f: {  	s9 =	smul.u32 $0xF7A, s1;
	s8 =	simm.s32 @!p0 $0x1BF5;
	p2 =	por !p2, p0  }
0x20: {  	[sflag:s8] =	ssyncset.s32 @!p0 $0xFFFFF086;
	s6 =	sadd.s32 @!p0 s3, s7;
	s7 =	simm.s32 @!p0 $0x108  }
0x21: {  	s3 =	sadd.s32 s3, s9;
	s6 =	sadd.s32 @!p0 $0x88, s6;
	s7 =	simm.s32 @p2 $0x1082  }
0x22: {  	[simem:s7], [sflag:s8] =	dma.local @!p0 [hbm:s6], $0xF7A  }
0x23: {  	s9 =	sor.u32 $0xD0000000, s2;
	s6 =	simm.s32 $0x108;
	_ =	swait.ge @!p0 [sflag:s8], $0x0  }
0x24: {  	s3 =	sadd.s32 $0x88, s3;
	s6 =	simm.s32 @!p1 $0x1082;
	[sflag:s4] =	ssyncset.s32 $0xFFFFF086  }
0x25: {  	[simem:s6], [sflag:s4] =	dma.local [hbm:s3], $0xF7A  }
0x26: {  	[smem:$0x3F9F] =	sst s1;
	(tag) =	ssettag s2;
	_ =	strace s9  }
0x27: {  	s1 =	sld [smem:$0x3FAF]  }
0x28: {  	s2 =	sld [smem:$0x3FB0]  }
0x29: {  	s4 =	sld [smem:$0x3FB2]  }
0x2a: {  	p0 =	seq.s32 s5, $0x0;
	s5 =	sld [smem:$0x3FB3]  }
0x2b: {  	s6 =	sld [smem:$0x3FB4]  }
0x2c: {  	s7 =	sld [smem:$0x3FB5]  }
0x2d: {  	s3 =	simm.s32 $0x108;
	s8 =	sld [smem:$0x3FB6]  }
0x2e: {  	s3 =	simm.s32 @!p0 $0x1082;
	s9 =	sld [smem:$0x3FB7]  }
0x2f: {  	lr =	sadd.s32 s0, s3;
	s0 =	sld [smem:$0x3FAE]  }
0x30: {  	s3 =	sld [smem:$0x3FB1]  }
0x31: {  	[smem:$0x3FBA] =	sst s10  }
0x32: {  	s10 =	sld [smem:$0x3FB8];
	_ =	sdelay $0x3  }
0x33: {  	p0 =	seq.s32 s10, $0x1;
	s10 =	sld [smem:$0x3FBA];
	_ =	sdelay $0x3  }
0x34: {  	[smem:$0x3FBA] =	sst s10  }
0x35: {  	s10 =	sld [smem:$0x3FB9];
	_ =	sdelay $0x3  }
0x36: {  	p1 =	seq.s32 s10, $0x1;
	s10 =	sld [smem:$0x3FBA];
	_ =	sdelay $0x3  }
0x37: {  	[smem:$0x3FBA] =	sst s10  }
0x38: {  	s10 =	sld [smem:$0x3FBB]  }
0x39: {  	_ = 	snop;
	(pc) =	sbr.ind lr, $3  }
0x3a: {  	_ = 	snop  }
0x3b: {  	_ = 	snop  }
0x3c: {  	p2 =	seq.s32 s10, $0x1;
	s10 =	sld [smem:$0x3FBA]  }
0x3d: {  	_ =	shalt  }
0x3e: {  	_ =	shalt  }
0x3f: {  	_ =	shalt  }
0x40: {  	_ =	shalt  }
0x41: {  	_ =	shalt  }
0x42: {  	_ =	shalt  }
0x43: {  	_ =	shalt  }
0x44: {  	_ =	shalt  }
0x45: {  	_ =	shalt  }
0x46: {  	_ =	shalt  }
0x47: {  	_ =	shalt  }
0x48: {  	_ =	shalt  }
0x49: {  	_ =	shalt  }
0x4a: {  	_ =	shalt  }
0x4b: {  	_ =	shalt  }
0x4c: {  	_ =	shalt  }
0x4d: {  	_ =	shalt  }
0x4e: {  	_ =	shalt  }
0x4f: {  	_ =	shalt  }
0x50: {  	_ =	shalt  }
0x51: {  	_ =	shalt  }
0x52: {  	_ =	shalt  }
0x53: {  	_ =	shalt  }
0x54: {  	_ =	shalt  }
0x55: {  	_ =	shalt  }
0x56: {  	_ =	shalt  }
0x57: {  	_ =	shalt  }
0x58: {  	_ =	shalt  }
0x59: {  	_ =	shalt  }
0x5a: {  	_ =	shalt  }
0x5b: {  	_ =	shalt  }
0x5c: {  	_ =	shalt  }
0x5d: {  	_ =	shalt  }
0x5e: {  	_ =	shalt  }
0x5f: {  	_ =	shalt  }
0x60: {  	_ =	shalt  }
0x61: {  	_ =	shalt  }
0x62: {  	_ =	shalt  }
0x63: {  	_ =	shalt  }
0x64: {  	_ =	shalt  }
0x65: {  	_ =	shalt  }
0x66: {  	_ =	shalt  }
0x67: {  	_ =	shalt  }
0x68: {  	_ =	shalt  }
0x69: {  	_ =	shalt  }
0x6a: {  	_ =	shalt  }
0x6b: {  	_ =	shalt  }
0x6c: {  	_ =	shalt  }
0x6d: {  	_ =	shalt  }
0x6e: {  	_ =	shalt  }
0x6f: {  	_ =	shalt  }
0x70: {  	_ =	shalt  }
0x71: {  	_ =	shalt  }
0x72: {  	_ =	shalt  }
0x73: {  	_ =	shalt  }
0x74: {  	_ =	shalt  }
0x75: {  	_ =	shalt  }
0x76: {  	_ =	shalt  }
0x77: {  	_ =	shalt  }
0x78: {  	_ =	shalt  }
0x79: {  	_ =	shalt  }
0x7a: {  	_ =	shalt  }
0x7b: {  	_ =	shalt  }
0x7c: {  	_ =	shalt  }
0x7d: {  	_ =	shalt  }
0x7e: {  	_ =	shalt  }
0x7f: {  	_ =	shalt  }
0x80: {  	_ =	shalt  }
0x81: {  	_ =	shalt  }
0x82: {  	_ =	shalt  }
0x83: {  	_ =	shalt  }
0x84: {  	_ =	shalt  }
0x85: {  	_ =	shalt  }
0x86: {  	_ =	shalt  }
0x87: {  	_ =	shalt  }
.Lfunc_end0:
.L_simem_size_0:
called_computation.1_lowered:
.L_overlay_start_0:
0x88: {  	s0 =	sld [smem:$0x3FD9]  }
0x89: {  	s1 =	sld [smem:$0x3FFE];
	_ =	sdelay $0x3  }
0x8a: {  	s0 =	sadd.s32 s1, s0  }
0x8b: {  	[smem:$0x3FC6] =	sst s0  }
0x8c: {  	_ = 	snop  }
0x8d: {  	(tm) =	ssettm $0x1  }
0x8e: {  	s15 =	sld [smem:$0x3FFB];
	_ =	sdelay $0x3  }
0x8f: {  	_ =	strace s15  }
0x90: {  	s0 =	sld [smem:$0x3FFC];
	_ =	sdelay $0x3  }
0x91: {  	_ =	strace s0  }
0x92: {  	s0 =	sld [smem:$0x3FFD];
	_ =	sdelay $0x3  }
0x93: {  	_ =	strace s0  }
0x94: {  	_ =	strace $0x8FFFFFFF  }
0x95: {  	s16 =	sld [smem:$0x3FDB];
	_ =	sdelay $0x1  }
0x96: {  	s17 =	simm.s32 $_scs_section_size  }
0x97: {  	s2 =	simm.s32 $_size__tile_overlayer_lowered;
	s3 =	simm.s32 $_tile_overlayer_lowered  }
0x98: {  	s20 =	simm.s32 $0x1BFF;
	s19 =	sshll.u32 s3, $0x1;
	s0 =	sadd.s32 s17, s16  }
0x99: {  	s4 =	simm.s32 $0x0;
	s18 =	sshll.u32 s2, $0x1;
	s2 =	sadd.s32 s19, s0  }
0x9a: {  	[timem:s4], [sflag:s20] =	dma.local [hbm:s2], s18  }
0x9b: {  	_ =	swait.ge [sflag:s20], s18  }
0x9c: {  	s1 =	ssub.s32 $0x0, s18;
	[sflag:s20] =	ssyncset.done $0x0  }
0x9d: {  	[sflag:s20] =	ssyncadd.s32 s1;
	_ =	sdelay $0x1  }
0x9e: {  	s21 =	simm.s32 $0x1B8B  }
0x9f: {  	_ =	swait.ge [sflag:s21], $0x1  }
0xa0: {  	[sflag:s21] =	ssyncset.done $0x0  }
0xa1: {  	s23 =	simm.s32 $0x1B8E;
	s22 =	sld [smem:$0x3FFE];
	[sflag:s21] =	ssyncadd.s32 $0xFFFFFFFF  }
0xa2: {  	s24 =	simm.s32 $execute0_lowered;
	[smem:$0x3FD2] =	sst s23  }
0xa3: {  	s2 =	sshll.u32 s24, $0x1;
	_ =	strace $0x80000049;
	[dreg:$0x1] =	wrdreg $0xFFFFFFFF  }
0xa4: {  	s25 =	simm.s32 $_size_execute0_lowered;
	s0 =	sadd.s32 s0, s2;
	[dreg:$0x0] =	wrdreg $0x0  }
0xa5: {  	s2 =	sshll.u32 s25, $0x1;
	[dreg:$0x2] =	wrdreg s0  }
0xa6: {  	[dreg:$0x3] =	wrdreg s2  }
0xa7: {  	[dreg:$0x4] =	wrdreg $0xC0  }
0xa8: {  	_ =	task [dreg:s4], $0x5FFFF  }
0xa9: {  	[dreg:$0x1] =	wrdreg $0xFFFFFFFF  }
0xaa: {  	[dreg:$0x0] =	wrdreg $0x60  }
0xab: {  	[dreg:$0x2] =	wrdreg s22  }
0xac: {  	[dreg:$0x3] =	wrdreg $0x9  }
0xad: {  	_ =	task.clear_ibuf [dreg:s4], $0x4FFFF;
	_ =	strace $0x90000049  }
0xae: {  	s26 =	simm.s32 $0x9;
	_ =	strace $0x8000004B  }
0xaf: {  	_ =	swait.ge [sflag:s26], $0x1  }
0xb0: {  	[sflag:s26] =	ssyncadd.s32 $0xFFFFFFFF  }
0xb1: {  	_ =	strace $0x9000004B  }
0xb2: {  	_ =	sfence  }
0xb3: {  	s28 =	sld [smem:$0x0];
	_ =	sdelay $0x1  }
0xb4: {  	s29 =	srdreg.scid  }
0xb5: {  	s30 =	sshll.u32 s29, $0xD;
	s31 =	sshrl.u32 s29, $0x2  }
0xb6: {  	s1 =	sand.u32 $0x1, s29;
	s2 =	sand.u32 $0x4000, s30;
	s0 =	sadd.s32 s31, s28  }
0xb7: {  	s1 =	sor.u32 s2, s1;
	s0 =	sshll.u32 s0, $0x11  }
0xb8: {  	s0 =	sor.u32 s0, s1  }
0xb9: {  	s0 =	sadd.s32 $0x8F2B, s0  }
0xba: {  	[sflag:s0] =	ssyncadd.remote.s32 $0x1  }
0xbb: {  	_ =	sfence.sel $0xFFFF  }
0xbc: {  	[dreg:$0x0] =	wrdreg $0xFFFFFFFF;
	(pc) =	sbr.abs _section_cstart, $3  }
0xbd: {  	[dreg:$0x1] =	wrdreg $0xFFFFFFFF  }
0xbe: {  	_ =	task.clear_ibuf [dreg:s4], $0x2FFFF;
	_ =	strace $0x9FFFFFFF  }
0xbf: {  	(tm) =	ssettm $0x7FFFFFFF  }
tec
execute0_lowered:
.L_overlay_start_1:
0x0: {  	(tag) =	ssettag $0x1  }
0x1: {  	s2 =	rddreg [dreg:$0x0]  }
0x2: {  	s0 =	rddreg [dreg:$0x1];
	s1 =	stileid.u32;
	_ =	strace $0x8000004A  }
0x3: {  	s6 =	simm.s32 $0x1;
	s8 =	simm.s32 $0x2;
	s30 =	simm.s32 $0x3  }
0x4: {  	s12 =	simm.s32 $0x0;
	s9 =	simm.s32 $0x0;
	s4 =	sshll.u32 s1, $0x4  }
0x5: {  	s10 =	simm.s32 $0x0;
	s3 =	sadd.s32 $0x80E00, s2;
	s7 =	ssub.s32 $0x1380, s4  }
0x6: {  	s5 =	sadd.s32 $0x81200, s2;
	[sflag:s6] =	ssyncpa.u1 $0x0;
	s6 =	sshrl.u32 s7, $0x8  }
0x7: {  	[sflag:s8] =	ssyncpa.u1 $0x0;
	s11 =	smov.u32 s4;
	s31 =	sshll.u32 s6, $0x4  }
0x8: {  	[sflag:s30] =	ssyncpa.u1 $0x0;
	s7 =	sadd.s32 $0x2, s6;
	s8 =	sadd.s32 $0x30, s31  }
.LBB2_1:
0x9: {  	p0 =	sgt.u32 s10, s6  }
0xa: {  	s13 =	sxor.u32 @!p0 $0xFFFFFFFF, s9;
	s14 =	sshrl.u32 @!p0 s11, $0x3  }
0xb: {  	s15 =	sand.u32 @!p0 $0x7, s11;
	s13 =	sand.u32 @!p0 $0x10, s13;
	s14 =	sadd.s32 @!p0 s3, s14  }
0xc: {  	[tilespmem:s13], [sflag:$0x2] =	stream.linear.gather @!p0 [hbm4b:s14+s15], $0x10, $0x38;
	[tilespmem:$0x40] =	vst v63  }
0xd: {  	p0 =	seq.s32 s9, $0x0  }
0xe: {  	p1 =	sge.u32 @!p0 s10, s7  }
0xf: {  	p0 =	por p1, p0  }
0x10: {  	s13 =	simm.s32 @!p0 $0x2  }
0x11: {  	_ =	swait.ge @!p0 [sflag:s13], $0x10  }
0x12: {  	[sflag:s13] =	ssyncset.done @!p0 $0x0  }
0x13: {  	[sflag:s13] =	ssyncadd.s32 @!p0 $0xFFFFFFF0;
	s13 =	sand.u32 @!p0 $0x10, s9  }
0x14: {  	(ifvalue) =	ssetifvalue @!p0 $0x7FFFFFFF;
	v0 =	vld.msk @!p0 [tilespmem:s13+$0x0 ss:$0x1], $0xffff;
	_ =	sdelay $0x4  }
0x15: {  	vm0 =	vgt.s32 @!p0 v0, $0x0  }
0x16: {  	v0 =	vnsel @!p0 vm0, $0x0, v0  }
0x17: {  	v0 =	vmin.u32 @!p0 v0, $0x3FFFFF;
	_ =	sdelay $0x3  }
0x18: {  	s14 =	simm.s32 @!p0 $0x0;
	s13 =	sor.u32 @!p0 $0x20, s13;
	(ifvalue) =	ssetifvalue @!p0 $0x7FFFFFFF;
	vm0 =	vmmov @!p0 $0xffff  }
0x19: {  	[tilespmem:s13], [sflag:$0x1] =	stream.indirect_vreg.gather @!p0 [hbm4b:s2+s14], $0x1, v0, vm0, $0x4038;
	[tilespmem:$0x40] =	vst v63  }
0x1a: {  	s14 =	simm.s32 @!p0 $0x1  }
0x1b: {  	_ =	swait.ge @!p0 [sflag:s14], $0x10  }
0x1c: {  	s15 =	sshrl.u32 @!p0 s12, $0x3;
	[sflag:s14] =	ssyncset.done @!p0 $0x0  }
0x1d: {  	s12 =	sand.u32 @!p0 $0x7, s12;
	[sflag:s14] =	ssyncadd.s32 @!p0 $0xFFFFFFF0;
	s14 =	sadd.s32 @!p0 s5, s15  }
0x1e: {  	[hbm4b:s14+s12] =	stream.linear.scatter @!p0 [tilespmem:s13], [sflag:$0x3], $0x10, $0x38;
	[tilespmem:$0x40] =	vst v63  }
0x1f: {  	s14 =	sadd.s32 $0x100, s11  }
0x20: {  	s9 =	sadd.s32 $0x10, s9;
	p1 =	sgt.s32 s14, $0x1387  }
0x21: {  	s14 =	smov.u32 @p1 s4;
	p1 =	sne.s32 s8, s9  }
.Ltmp0:
0x22: {  	p0 =	slt.u32 s10, $0x2;
	(pc) =	sbr.rel @p1 .LBB2_1-.Ltmp0, $4  }
0x23: {  	s13 =	simm.s32 @!p0 $0x3  }
0x24: {  	_ =	swait.ge @!p0 [sflag:s13], $0x10  }
0x25: {  	s12 =	smov.u32 s11;
	[sflag:s13] =	ssyncset.done @!p0 $0x0  }
0x26: {  	s10 =	sadd.s32 $0x1, s10;
	s11 =	smov.u32 s14;
	[sflag:s13] =	ssyncadd.s32 @!p0 $0xFFFFFFF0  }
0x27: {  	_ =	sfence.sel $0x180000  }
0x28: {  	s2 =	simm.s32 $0x2;
	[bflag:$0x0] =	sbarrier.arrive $0xFFFF  }
0x29: {  	s30 =	simm.s32 $0x3;
	[sflag:s2] =	ssyncpa.u1 $0x1  }
0x2a: {  	s31 =	simm.s32 $0x1;
	[sflag:s30] =	ssyncpa.u1 $0x1  }
0x2b: {  	[sflag:s31] =	ssyncpa.u1 $0x1  }
0x2c: {  	p0 =	sne.s32 s1, $0x0;
	_ =	strace $0x9000004A  }
0x2d: {  	s0 =	sadd.s32 @!p0 $0x100000, s0;
	[bflag:$0x2] =	sbarrier.arrive $0xFFFF  }
0x2e: {  	[sflag:s0] =	ssyncadd.tile.s32 @!p0 $0x1;
	_ =	shalt  }
.Lfunc_end2:
_tile_overlayer_lowered:
.L_overlay_start_2:
0x2f: {  	(tag) =	ssettag $0x2  }
0x30: {  	s0 =	rddreg [dreg:$0x0];
	s2 =	stileid.u32  }
0x31: {  	s1 =	rddreg [dreg:$0x1];
	p0 =	sne.s32 s2, $0x0  }
0x32: {  	s3 =	rddreg [dreg:$0x2];
	[bflag:$0x3] =	sbarrier.arrive $0xFFFF;
	s2 =	simm.s32 @!p0 $0x1C01  }
0x33: {  	[timem:s3], [sflag:s2] =	dma.local @!p0 [hbm:s0], s1  }
0x34: {  	s0 =	simm.s32 @!p0 $0x1  }
0x35: {  	_ =	swait.ge @!p0 [sflag:s0], s1  }
0x36: {  	s1 =	ssub.s32 @!p0 $0x0, s1;
	[sflag:s0] =	ssyncset.done @!p0 $0x0  }
0x37: {  	[sflag:s0] =	ssyncadd.s32 @!p0 s1  }
0x38: {  	[bflag:$0x3] =	sbarrier.arrive $0xFFFF  }
0x39: {  	_ =	shalt  }

// kernel: gather_offload_async_start.2
scs
__scs_entry_jumppad:
0x0: {  	(pc) =	sbr.rel $0x88, $3  }
0x1: {  	(tag) =	ssettag $0x0;
	lr =	simm.s32 $0x1  }
0x2: {  	[smem:$0x3F9F] =	sst lr;
	_ =	strace $0xD0000000  }
0x3: {  	_ = 	snop  }
0x4: {  	_ = 	snop  }
0x5: {  	_ = 	snop  }
0x6: {  	_ = 	snop  }
0x7: {  	_ = 	snop  }
__scs_overlays_trampoline_lowered:
0x8: {  	[smem:$0x3FAE] =	sst s0  }
0x9: {  	[smem:$0x3FAF] =	sst s1  }
0xa: {  	[smem:$0x3FB0] =	sst s2  }
0xb: {  	[smem:$0x3FB1] =	sst s3  }
0xc: {  	[smem:$0x3FB2] =	sst s4  }
0xd: {  	[smem:$0x3FB3] =	sst s5  }
0xe: {  	[smem:$0x3FB4] =	sst s6  }
0xf: {  	[smem:$0x3FB5] =	sst s7  }
0x10: {  	[smem:$0x3FB6] =	sst s8  }
0x11: {  	[smem:$0x3FB7] =	sst s9;
	s0 =	simm.s32 @!p0 $0x0  }
0x12: {  	s1 =	sld [smem:$0x3F9D];
	s0 =	simm.s32 @p0 $0x1  }
0x13: {  	[smem:$0x3FB8] =	sst s0;
	s0 =	simm.s32 @!p1 $0x0  }
0x14: {  	s2 =	sld [smem:$0x3F9C];
	s0 =	simm.s32 @p1 $0x1  }
0x15: {  	[smem:$0x3FB9] =	sst s0;
	s0 =	simm.s32 @!p2 $0x0  }
0x16: {  	s3 =	sld [smem:$0x3FDB];
	s0 =	simm.s32 @p2 $0x1  }
0x17: {  	s4 =	simm.s32 $0x1BF5;
	[smem:$0x3FBB] =	sst s0  }
0x18: {  	s0 =	sld [smem:$0x3F9E];
	_ =	swait.ge [sflag:s4], $0x0  }
0x19: {  	s7 =	sld [smem:$0x3F9F]  }
0x1a: {  	s8 =	sadd.s32 $0xFFFFE003, lr  }
0x1b: {  	s9 =	sadd.s32 $0xFFFFFEF7, lr;
	s5 =	simm.s32 $0xFFFFFFFF;
	p2 =	slt.u32 s8, $0xFFFFF086  }
0x1c: {  	p1 =	slt.u32 s9, $0xF7A;
	s5 =	simm.s32 @!p2 $0x0  }
0x1d: {  	s5 =	simm.s32 @p1 $0x1;
	p0 =	seq.s32 s7, s2  }
0x1e: {  	s7 =	smul.u32 @!p0 $0xF7A, s2;
	p2 =	seq.s32 @!p0 s5, $0x0  }
0x1f: {  	s9 =	smul.u32 $0xF7A, s1;
	s8 =	simm.s32 @!p0 $0x1BF5;
	p2 =	por !p2, p0  }
0x20: {  	[sflag:s8] =	ssyncset.s32 @!p0 $0xFFFFF086;
	s6 =	sadd.s32 @!p0 s3, s7;
	s7 =	simm.s32 @!p0 $0x108  }
0x21: {  	s3 =	sadd.s32 s3, s9;
	s6 =	sadd.s32 @!p0 $0x88, s6;
	s7 =	simm.s32 @p2 $0x1082  }
0x22: {  	[simem:s7], [sflag:s8] =	dma.local @!p0 [hbm:s6], $0xF7A  }
0x23: {  	s9 =	sor.u32 $0xD0000000, s2;
	s6 =	simm.s32 $0x108;
	_ =	swait.ge @!p0 [sflag:s8], $0x0  }
0x24: {  	s3 =	sadd.s32 $0x88, s3;
	s6 =	simm.s32 @!p1 $0x1082;
	[sflag:s4] =	ssyncset.s32 $0xFFFFF086  }
0x25: {  	[simem:s6], [sflag:s4] =	dma.local [hbm:s3], $0xF7A  }
0x26: {  	[smem:$0x3F9F] =	sst s1;
	(tag) =	ssettag s2;
	_ =	strace s9  }
0x27: {  	s1 =	sld [smem:$0x3FAF]  }
0x28: {  	s2 =	sld [smem:$0x3FB0]  }
0x29: {  	s4 =	sld [smem:$0x3FB2]  }
0x2a: {  	p0 =	seq.s32 s5, $0x0;
	s5 =	sld [smem:$0x3FB3]  }
0x2b: {  	s6 =	sld [smem:$0x3FB4]  }
0x2c: {  	s7 =	sld [smem:$0x3FB5]  }
0x2d: {  	s3 =	simm.s32 $0x108;
	s8 =	sld [smem:$0x3FB6]  }
0x2e: {  	s3 =	simm.s32 @!p0 $0x1082;
	s9 =	sld [smem:$0x3FB7]  }
0x2f: {  	lr =	sadd.s32 s0, s3;
	s0 =	sld [smem:$0x3FAE]  }
0x30: {  	s3 =	sld [smem:$0x3FB1]  }
0x31: {  	[smem:$0x3FBA] =	sst s10  }
0x32: {  	s10 =	sld [smem:$0x3FB8];
	_ =	sdelay $0x3  }
0x33: {  	p0 =	seq.s32 s10, $0x1;
	s10 =	sld [smem:$0x3FBA];
	_ =	sdelay $0x3  }
0x34: {  	[smem:$0x3FBA] =	sst s10  }
0x35: {  	s10 =	sld [smem:$0x3FB9];
	_ =	sdelay $0x3  }
0x36: {  	p1 =	seq.s32 s10, $0x1;
	s10 =	sld [smem:$0x3FBA];
	_ =	sdelay $0x3  }
0x37: {  	[smem:$0x3FBA] =	sst s10  }
0x38: {  	s10 =	sld [smem:$0x3FBB]  }
0x39: {  	_ = 	snop;
	(pc) =	sbr.ind lr, $3  }
0x3a: {  	_ = 	snop  }
0x3b: {  	_ = 	snop  }
0x3c: {  	p2 =	seq.s32 s10, $0x1;
	s10 =	sld [smem:$0x3FBA]  }
0x3d: {  	_ =	shalt  }
0x3e: {  	_ =	shalt  }
0x3f: {  	_ =	shalt  }
0x40: {  	_ =	shalt  }
0x41: {  	_ =	shalt  }
0x42: {  	_ =	shalt  }
0x43: {  	_ =	shalt  }
0x44: {  	_ =	shalt  }
0x45: {  	_ =	shalt  }
0x46: {  	_ =	shalt  }
0x47: {  	_ =	shalt  }
0x48: {  	_ =	shalt  }
0x49: {  	_ =	shalt  }
0x4a: {  	_ =	shalt  }
0x4b: {  	_ =	shalt  }
0x4c: {  	_ =	shalt  }
0x4d: {  	_ =	shalt  }
0x4e: {  	_ =	shalt  }
0x4f: {  	_ =	shalt  }
0x50: {  	_ =	shalt  }
0x51: {  	_ =	shalt  }
0x52: {  	_ =	shalt  }
0x53: {  	_ =	shalt  }
0x54: {  	_ =	shalt  }
0x55: {  	_ =	shalt  }
0x56: {  	_ =	shalt  }
0x57: {  	_ =	shalt  }
0x58: {  	_ =	shalt  }
0x59: {  	_ =	shalt  }
0x5a: {  	_ =	shalt  }
0x5b: {  	_ =	shalt  }
0x5c: {  	_ =	shalt  }
0x5d: {  	_ =	shalt  }
0x5e: {  	_ =	shalt  }
0x5f: {  	_ =	shalt  }
0x60: {  	_ =	shalt  }
0x61: {  	_ =	shalt  }
0x62: {  	_ =	shalt  }
0x63: {  	_ =	shalt  }
0x64: {  	_ =	shalt  }
0x65: {  	_ =	shalt  }
0x66: {  	_ =	shalt  }
0x67: {  	_ =	shalt  }
0x68: {  	_ =	shalt  }
0x69: {  	_ =	shalt  }
0x6a: {  	_ =	shalt  }
0x6b: {  	_ =	shalt  }
0x6c: {  	_ =	shalt  }
0x6d: {  	_ =	shalt  }
0x6e: {  	_ =	shalt  }
0x6f: {  	_ =	shalt  }
0x70: {  	_ =	shalt  }
0x71: {  	_ =	shalt  }
0x72: {  	_ =	shalt  }
0x73: {  	_ =	shalt  }
0x74: {  	_ =	shalt  }
0x75: {  	_ =	shalt  }
0x76: {  	_ =	shalt  }
0x77: {  	_ =	shalt  }
0x78: {  	_ =	shalt  }
0x79: {  	_ =	shalt  }
0x7a: {  	_ =	shalt  }
0x7b: {  	_ =	shalt  }
0x7c: {  	_ =	shalt  }
0x7d: {  	_ =	shalt  }
0x7e: {  	_ =	shalt  }
0x7f: {  	_ =	shalt  }
0x80: {  	_ =	shalt  }
0x81: {  	_ =	shalt  }
0x82: {  	_ =	shalt  }
0x83: {  	_ =	shalt  }
0x84: {  	_ =	shalt  }
0x85: {  	_ =	shalt  }
0x86: {  	_ =	shalt  }
0x87: {  	_ =	shalt  }
.Lfunc_end0:
.L_simem_size_0:
called_computation.2_lowered:
.L_overlay_start_0:
0x88: {  	s0 =	sld [smem:$0x3FD9]  }
0x89: {  	s1 =	sld [smem:$0x3FFE];
	_ =	sdelay $0x3  }
0x8a: {  	s0 =	sadd.s32 s1, s0  }
0x8b: {  	[smem:$0x3FC6] =	sst s0  }
0x8c: {  	_ = 	snop  }
0x8d: {  	(tm) =	ssettm $0x1  }
0x8e: {  	s15 =	sld [smem:$0x3FFB];
	_ =	sdelay $0x3  }
0x8f: {  	_ =	strace s15  }
0x90: {  	s0 =	sld [smem:$0x3FFC];
	_ =	sdelay $0x3  }
0x91: {  	_ =	strace s0  }
0x92: {  	s0 =	sld [smem:$0x3FFD];
	_ =	sdelay $0x3  }
0x93: {  	_ =	strace s0  }
0x94: {  	_ =	strace $0x8FFFFFFF  }
0x95: {  	s16 =	sld [smem:$0x3FDB];
	_ =	sdelay $0x1  }
0x96: {  	s17 =	simm.s32 $_scs_section_size  }
0x97: {  	s2 =	simm.s32 $_size__tile_overlayer_lowered;
	s3 =	simm.s32 $_tile_overlayer_lowered  }
0x98: {  	s20 =	simm.s32 $0x1BFF;
	s19 =	sshll.u32 s3, $0x1;
	s0 =	sadd.s32 s17, s16  }
0x99: {  	s4 =	simm.s32 $0x0;
	s18 =	sshll.u32 s2, $0x1;
	s2 =	sadd.s32 s19, s0  }
0x9a: {  	[timem:s4], [sflag:s20] =	dma.local [hbm:s2], s18  }
0x9b: {  	_ =	swait.ge [sflag:s20], s18  }
0x9c: {  	s1 =	ssub.s32 $0x0, s18;
	[sflag:s20] =	ssyncset.done $0x0  }
0x9d: {  	[sflag:s20] =	ssyncadd.s32 s1;
	_ =	sdelay $0x1  }
0x9e: {  	s21 =	simm.s32 $0x1B8B  }
0x9f: {  	_ =	swait.ge [sflag:s21], $0x1  }
0xa0: {  	[sflag:s21] =	ssyncset.done $0x0  }
0xa1: {  	s23 =	simm.s32 $0x1B8E;
	s22 =	sld [smem:$0x3FFE];
	[sflag:s21] =	ssyncadd.s32 $0xFFFFFFFF  }
0xa2: {  	s24 =	simm.s32 $execute0_lowered;
	[smem:$0x3FD2] =	sst s23  }
0xa3: {  	s2 =	sshll.u32 s24, $0x1;
	_ =	strace $0x80000046;
	[dreg:$0x1] =	wrdreg $0xFFFFFFFF  }
0xa4: {  	s25 =	simm.s32 $_size_execute0_lowered;
	s0 =	sadd.s32 s0, s2;
	[dreg:$0x0] =	wrdreg $0x0  }
0xa5: {  	s2 =	sshll.u32 s25, $0x1;
	[dreg:$0x2] =	wrdreg s0  }
0xa6: {  	[dreg:$0x3] =	wrdreg s2  }
0xa7: {  	[dreg:$0x4] =	wrdreg $0xC0  }
0xa8: {  	_ =	task [dreg:s4], $0x5FFFF  }
0xa9: {  	[dreg:$0x1] =	wrdreg $0xFFFFFFFF  }
0xaa: {  	[dreg:$0x0] =	wrdreg $0x60  }
0xab: {  	[dreg:$0x2] =	wrdreg s22  }
0xac: {  	[dreg:$0x3] =	wrdreg $0xA  }
0xad: {  	_ =	task.clear_ibuf [dreg:s4], $0x4FFFF;
	_ =	strace $0x90000046  }
0xae: {  	s26 =	simm.s32 $0xA;
	_ =	strace $0x80000048  }
0xaf: {  	_ =	swait.ge [sflag:s26], $0x1  }
0xb0: {  	[sflag:s26] =	ssyncadd.s32 $0xFFFFFFFF  }
0xb1: {  	_ =	strace $0x90000048  }
0xb2: {  	_ =	sfence  }
0xb3: {  	s28 =	sld [smem:$0x0];
	_ =	sdelay $0x1  }
0xb4: {  	s29 =	srdreg.scid  }
0xb5: {  	s30 =	sshll.u32 s29, $0xD;
	s31 =	sshrl.u32 s29, $0x2  }
0xb6: {  	s1 =	sand.u32 $0x1, s29;
	s2 =	sand.u32 $0x4000, s30;
	s0 =	sadd.s32 s31, s28  }
0xb7: {  	s1 =	sor.u32 s2, s1;
	s0 =	sshll.u32 s0, $0x11  }
0xb8: {  	s0 =	sor.u32 s0, s1  }
0xb9: {  	s0 =	sadd.s32 $0x8F2B, s0  }
0xba: {  	[sflag:s0] =	ssyncadd.remote.s32 $0x1  }
0xbb: {  	_ =	sfence.sel $0xFFFF  }
0xbc: {  	[dreg:$0x0] =	wrdreg $0xFFFFFFFF;
	(pc) =	sbr.abs _section_cstart, $3  }
0xbd: {  	[dreg:$0x1] =	wrdreg $0xFFFFFFFF  }
0xbe: {  	_ =	task.clear_ibuf [dreg:s4], $0x2FFFF;
	_ =	strace $0x9FFFFFFF  }
0xbf: {  	(tm) =	ssettm $0x7FFFFFFF  }
tec
execute0_lowered:
.L_overlay_start_1:
0x0: {  	(tag) =	ssettag $0x1  }
0x1: {  	s2 =	rddreg [dreg:$0x0]  }
0x2: {  	s0 =	rddreg [dreg:$0x1];
	s1 =	stileid.u32;
	_ =	strace $0x80000047  }
0x3: {  	s6 =	simm.s32 $0x1;
	s8 =	simm.s32 $0x2;
	s30 =	simm.s32 $0x3  }
0x4: {  	s12 =	simm.s32 $0x0;
	s9 =	simm.s32 $0x0;
	s4 =	sshll.u32 s1, $0x4  }
0x5: {  	s10 =	simm.s32 $0x0;
	s3 =	sadd.s32 $0x80A00, s2;
	s7 =	ssub.s32 $0x1380, s4  }
0x6: {  	s5 =	sadd.s32 $0x80400, s2;
	[sflag:s6] =	ssyncpa.u1 $0x0;
	s6 =	sshrl.u32 s7, $0x8  }
0x7: {  	[sflag:s8] =	ssyncpa.u1 $0x0;
	s11 =	smov.u32 s4;
	s31 =	sshll.u32 s6, $0x4  }
0x8: {  	[sflag:s30] =	ssyncpa.u1 $0x0;
	s7 =	sadd.s32 $0x2, s6;
	s8 =	sadd.s32 $0x30, s31  }
.LBB2_1:
0x9: {  	p0 =	sgt.u32 s10, s6  }
0xa: {  	s13 =	sxor.u32 @!p0 $0xFFFFFFFF, s9;
	s14 =	sshrl.u32 @!p0 s11, $0x3  }
0xb: {  	s15 =	sand.u32 @!p0 $0x7, s11;
	s13 =	sand.u32 @!p0 $0x10, s13;
	s14 =	sadd.s32 @!p0 s3, s14  }
0xc: {  	[tilespmem:s13], [sflag:$0x2] =	stream.linear.gather @!p0 [hbm4b:s14+s15], $0x10, $0x38;
	[tilespmem:$0x40] =	vst v63  }
0xd: {  	p0 =	seq.s32 s9, $0x0  }
0xe: {  	p1 =	sge.u32 @!p0 s10, s7  }
0xf: {  	p0 =	por p1, p0  }
0x10: {  	s13 =	simm.s32 @!p0 $0x2  }
0x11: {  	_ =	swait.ge @!p0 [sflag:s13], $0x10  }
0x12: {  	[sflag:s13] =	ssyncset.done @!p0 $0x0  }
0x13: {  	[sflag:s13] =	ssyncadd.s32 @!p0 $0xFFFFFFF0;
	s13 =	sand.u32 @!p0 $0x10, s9  }
0x14: {  	(ifvalue) =	ssetifvalue @!p0 $0x7FFFFFFF;
	v0 =	vld.msk @!p0 [tilespmem:s13+$0x0 ss:$0x1], $0xffff;
	_ =	sdelay $0x4  }
0x15: {  	vm0 =	vgt.s32 @!p0 v0, $0x0  }
0x16: {  	v0 =	vnsel @!p0 vm0, $0x0, v0  }
0x17: {  	v0 =	vmin.u32 @!p0 v0, $0x3FFFFF;
	_ =	sdelay $0x3  }
0x18: {  	s14 =	simm.s32 @!p0 $0x0;
	s13 =	sor.u32 @!p0 $0x20, s13;
	(ifvalue) =	ssetifvalue @!p0 $0x7FFFFFFF;
	vm0 =	vmmov @!p0 $0xffff  }
0x19: {  	[tilespmem:s13], [sflag:$0x1] =	stream.indirect_vreg.gather @!p0 [hbm4b:s2+s14], $0x1, v0, vm0, $0x4038;
	[tilespmem:$0x40] =	vst v63  }
0x1a: {  	s14 =	simm.s32 @!p0 $0x1  }
0x1b: {  	_ =	swait.ge @!p0 [sflag:s14], $0x10  }
0x1c: {  	s15 =	sshrl.u32 @!p0 s12, $0x3;
	[sflag:s14] =	ssyncset.done @!p0 $0x0  }
0x1d: {  	s12 =	sand.u32 @!p0 $0x7, s12;
	[sflag:s14] =	ssyncadd.s32 @!p0 $0xFFFFFFF0;
	s14 =	sadd.s32 @!p0 s5, s15  }
0x1e: {  	[hbm4b:s14+s12] =	stream.linear.scatter @!p0 [tilespmem:s13], [sflag:$0x3], $0x10, $0x38;
	[tilespmem:$0x40] =	vst v63  }
0x1f: {  	s14 =	sadd.s32 $0x100, s11  }
0x20: {  	s9 =	sadd.s32 $0x10, s9;
	p1 =	sgt.s32 s14, $0x1387  }
0x21: {  	s14 =	smov.u32 @p1 s4;
	p1 =	sne.s32 s8, s9  }
.Ltmp0:
0x22: {  	p0 =	slt.u32 s10, $0x2;
	(pc) =	sbr.rel @p1 .LBB2_1-.Ltmp0, $4  }
0x23: {  	s13 =	simm.s32 @!p0 $0x3  }
0x24: {  	_ =	swait.ge @!p0 [sflag:s13], $0x10  }
0x25: {  	s12 =	smov.u32 s11;
	[sflag:s13] =	ssyncset.done @!p0 $0x0  }
0x26: {  	s10 =	sadd.s32 $0x1, s10;
	s11 =	smov.u32 s14;
	[sflag:s13] =	ssyncadd.s32 @!p0 $0xFFFFFFF0  }
0x27: {  	_ =	sfence.sel $0x180000  }
0x28: {  	s2 =	simm.s32 $0x2;
	[bflag:$0x0] =	sbarrier.arrive $0xFFFF  }
0x29: {  	s30 =	simm.s32 $0x3;
	[sflag:s2] =	ssyncpa.u1 $0x1  }
0x2a: {  	s31 =	simm.s32 $0x1;
	[sflag:s30] =	ssyncpa.u1 $0x1  }
0x2b: {  	[sflag:s31] =	ssyncpa.u1 $0x1  }
0x2c: {  	p0 =	sne.s32 s1, $0x0;
	_ =	strace $0x90000047  }
0x2d: {  	s0 =	sadd.s32 @!p0 $0x100000, s0;
	[bflag:$0x2] =	sbarrier.arrive $0xFFFF  }
0x2e: {  	[sflag:s0] =	ssyncadd.tile.s32 @!p0 $0x1;
	_ =	shalt  }
.Lfunc_end2:
_tile_overlayer_lowered:
.L_overlay_start_2:
0x2f: {  	(tag) =	ssettag $0x2  }
0x30: {  	s0 =	rddreg [dreg:$0x0];
	s2 =	stileid.u32  }
0x31: {  	s1 =	rddreg [dreg:$0x1];
	p0 =	sne.s32 s2, $0x0  }
0x32: {  	s3 =	rddreg [dreg:$0x2];
	[bflag:$0x3] =	sbarrier.arrive $0xFFFF;
	s2 =	simm.s32 @!p0 $0x1C01  }
0x33: {  	[timem:s3], [sflag:s2] =	dma.local @!p0 [hbm:s0], s1  }
0x34: {  	s0 =	simm.s32 @!p0 $0x1  }
0x35: {  	_ =	swait.ge @!p0 [sflag:s0], s1  }
0x36: {  	s1 =	ssub.s32 @!p0 $0x0, s1;
	[sflag:s0] =	ssyncset.done @!p0 $0x0  }
0x37: {  	[sflag:s0] =	ssyncadd.s32 @!p0 s1  }
0x38: {  	[bflag:$0x3] =	sbarrier.arrive $0xFFFF  }
0x39: {  	_ =	shalt  }

// kernel: gather_offload_async_start
scs
__scs_entry_jumppad:
0x0: {  	(pc) =	sbr.rel $0x88, $3  }
0x1: {  	(tag) =	ssettag $0x0;
	lr =	simm.s32 $0x1  }
0x2: {  	[smem:$0x3F9F] =	sst lr;
	_ =	strace $0xD0000000  }
0x3: {  	_ = 	snop  }
0x4: {  	_ = 	snop  }
0x5: {  	_ = 	snop  }
0x6: {  	_ = 	snop  }
0x7: {  	_ = 	snop  }
__scs_overlays_trampoline_lowered:
0x8: {  	[smem:$0x3FAE] =	sst s0  }
0x9: {  	[smem:$0x3FAF] =	sst s1  }
0xa: {  	[smem:$0x3FB0] =	sst s2  }
0xb: {  	[smem:$0x3FB1] =	sst s3  }
0xc: {  	[smem:$0x3FB2] =	sst s4  }
0xd: {  	[smem:$0x3FB3] =	sst s5  }
0xe: {  	[smem:$0x3FB4] =	sst s6  }
0xf: {  	[smem:$0x3FB5] =	sst s7  }
0x10: {  	[smem:$0x3FB6] =	sst s8  }
0x11: {  	[smem:$0x3FB7] =	sst s9;
	s0 =	simm.s32 @!p0 $0x0  }
0x12: {  	s1 =	sld [smem:$0x3F9D];
	s0 =	simm.s32 @p0 $0x1  }
0x13: {  	[smem:$0x3FB8] =	sst s0;
	s0 =	simm.s32 @!p1 $0x0  }
0x14: {  	s2 =	sld [smem:$0x3F9C];
	s0 =	simm.s32 @p1 $0x1  }
0x15: {  	[smem:$0x3FB9] =	sst s0;
	s0 =	simm.s32 @!p2 $0x0  }
0x16: {  	s3 =	sld [smem:$0x3FDB];
	s0 =	simm.s32 @p2 $0x1  }
0x17: {  	s4 =	simm.s32 $0x1BF5;
	[smem:$0x3FBB] =	sst s0  }
0x18: {  	s0 =	sld [smem:$0x3F9E];
	_ =	swait.ge [sflag:s4], $0x0  }
0x19: {  	s7 =	sld [smem:$0x3F9F]  }
0x1a: {  	s8 =	sadd.s32 $0xFFFFE003, lr  }
0x1b: {  	s9 =	sadd.s32 $0xFFFFFEF7, lr;
	s5 =	simm.s32 $0xFFFFFFFF;
	p2 =	slt.u32 s8, $0xFFFFF086  }
0x1c: {  	p1 =	slt.u32 s9, $0xF7A;
	s5 =	simm.s32 @!p2 $0x0  }
0x1d: {  	s5 =	simm.s32 @p1 $0x1;
	p0 =	seq.s32 s7, s2  }
0x1e: {  	s7 =	smul.u32 @!p0 $0xF7A, s2;
	p2 =	seq.s32 @!p0 s5, $0x0  }
0x1f: {  	s9 =	smul.u32 $0xF7A, s1;
	s8 =	simm.s32 @!p0 $0x1BF5;
	p2 =	por !p2, p0  }
0x20: {  	[sflag:s8] =	ssyncset.s32 @!p0 $0xFFFFF086;
	s6 =	sadd.s32 @!p0 s3, s7;
	s7 =	simm.s32 @!p0 $0x108  }
0x21: {  	s3 =	sadd.s32 s3, s9;
	s6 =	sadd.s32 @!p0 $0x88, s6;
	s7 =	simm.s32 @p2 $0x1082  }
0x22: {  	[simem:s7], [sflag:s8] =	dma.local @!p0 [hbm:s6], $0xF7A  }
0x23: {  	s9 =	sor.u32 $0xD0000000, s2;
	s6 =	simm.s32 $0x108;
	_ =	swait.ge @!p0 [sflag:s8], $0x0  }
0x24: {  	s3 =	sadd.s32 $0x88, s3;
	s6 =	simm.s32 @!p1 $0x1082;
	[sflag:s4] =	ssyncset.s32 $0xFFFFF086  }
0x25: {  	[simem:s6], [sflag:s4] =	dma.local [hbm:s3], $0xF7A  }
0x26: {  	[smem:$0x3F9F] =	sst s1;
	(tag) =	ssettag s2;
	_ =	strace s9  }
0x27: {  	s1 =	sld [smem:$0x3FAF]  }
0x28: {  	s2 =	sld [smem:$0x3FB0]  }
0x29: {  	s4 =	sld [smem:$0x3FB2]  }
0x2a: {  	p0 =	seq.s32 s5, $0x0;
	s5 =	sld [smem:$0x3FB3]  }
0x2b: {  	s6 =	sld [smem:$0x3FB4]  }
0x2c: {  	s7 =	sld [smem:$0x3FB5]  }
0x2d: {  	s3 =	simm.s32 $0x108;
	s8 =	sld [smem:$0x3FB6]  }
0x2e: {  	s3 =	simm.s32 @!p0 $0x1082;
	s9 =	sld [smem:$0x3FB7]  }
0x2f: {  	lr =	sadd.s32 s0, s3;
	s0 =	sld [smem:$0x3FAE]  }
0x30: {  	s3 =	sld [smem:$0x3FB1]  }
0x31: {  	[smem:$0x3FBA] =	sst s10  }
0x32: {  	s10 =	sld [smem:$0x3FB8];
	_ =	sdelay $0x3  }
0x33: {  	p0 =	seq.s32 s10, $0x1;
	s10 =	sld [smem:$0x3FBA];
	_ =	sdelay $0x3  }
0x34: {  	[smem:$0x3FBA] =	sst s10  }
0x35: {  	s10 =	sld [smem:$0x3FB9];
	_ =	sdelay $0x3  }
0x36: {  	p1 =	seq.s32 s10, $0x1;
	s10 =	sld [smem:$0x3FBA];
	_ =	sdelay $0x3  }
0x37: {  	[smem:$0x3FBA] =	sst s10  }
0x38: {  	s10 =	sld [smem:$0x3FBB]  }
0x39: {  	_ = 	snop;
	(pc) =	sbr.ind lr, $3  }
0x3a: {  	_ = 	snop  }
0x3b: {  	_ = 	snop  }
0x3c: {  	p2 =	seq.s32 s10, $0x1;
	s10 =	sld [smem:$0x3FBA]  }
0x3d: {  	_ =	shalt  }
0x3e: {  	_ =	shalt  }
0x3f: {  	_ =	shalt  }
0x40: {  	_ =	shalt  }
0x41: {  	_ =	shalt  }
0x42: {  	_ =	shalt  }
0x43: {  	_ =	shalt  }
0x44: {  	_ =	shalt  }
0x45: {  	_ =	shalt  }
0x46: {  	_ =	shalt  }
0x47: {  	_ =	shalt  }
0x48: {  	_ =	shalt  }
0x49: {  	_ =	shalt  }
0x4a: {  	_ =	shalt  }
0x4b: {  	_ =	shalt  }
0x4c: {  	_ =	shalt  }
0x4d: {  	_ =	shalt  }
0x4e: {  	_ =	shalt  }
0x4f: {  	_ =	shalt  }
0x50: {  	_ =	shalt  }
0x51: {  	_ =	shalt  }
0x52: {  	_ =	shalt  }
0x53: {  	_ =	shalt  }
0x54: {  	_ =	shalt  }
0x55: {  	_ =	shalt  }
0x56: {  	_ =	shalt  }
0x57: {  	_ =	shalt  }
0x58: {  	_ =	shalt  }
0x59: {  	_ =	shalt  }
0x5a: {  	_ =	shalt  }
0x5b: {  	_ =	shalt  }
0x5c: {  	_ =	shalt  }
0x5d: {  	_ =	shalt  }
0x5e: {  	_ =	shalt  }
0x5f: {  	_ =	shalt  }
0x60: {  	_ =	shalt  }
0x61: {  	_ =	shalt  }
0x62: {  	_ =	shalt  }
0x63: {  	_ =	shalt  }
0x64: {  	_ =	shalt  }
0x65: {  	_ =	shalt  }
0x66: {  	_ =	shalt  }
0x67: {  	_ =	shalt  }
0x68: {  	_ =	shalt  }
0x69: {  	_ =	shalt  }
0x6a: {  	_ =	shalt  }
0x6b: {  	_ =	shalt  }
0x6c: {  	_ =	shalt  }
0x6d: {  	_ =	shalt  }
0x6e: {  	_ =	shalt  }
0x6f: {  	_ =	shalt  }
0x70: {  	_ =	shalt  }
0x71: {  	_ =	shalt  }
0x72: {  	_ =	shalt  }
0x73: {  	_ =	shalt  }
0x74: {  	_ =	shalt  }
0x75: {  	_ =	shalt  }
0x76: {  	_ =	shalt  }
0x77: {  	_ =	shalt  }
0x78: {  	_ =	shalt  }
0x79: {  	_ =	shalt  }
0x7a: {  	_ =	shalt  }
0x7b: {  	_ =	shalt  }
0x7c: {  	_ =	shalt  }
0x7d: {  	_ =	shalt  }
0x7e: {  	_ =	shalt  }
0x7f: {  	_ =	shalt  }
0x80: {  	_ =	shalt  }
0x81: {  	_ =	shalt  }
0x82: {  	_ =	shalt  }
0x83: {  	_ =	shalt  }
0x84: {  	_ =	shalt  }
0x85: {  	_ =	shalt  }
0x86: {  	_ =	shalt  }
0x87: {  	_ =	shalt  }
.Lfunc_end0:
.L_simem_size_0:
called_computation_lowered:
.L_overlay_start_0:
0x88: {  	s0 =	sld [smem:$0x3FD9]  }
0x89: {  	s1 =	sld [smem:$0x3FFE];
	_ =	sdelay $0x3  }
0x8a: {  	s0 =	sadd.s32 s1, s0  }
0x8b: {  	[smem:$0x3FC6] =	sst s0  }
0x8c: {  	_ = 	snop  }
0x8d: {  	(tm) =	ssettm $0x1  }
0x8e: {  	s15 =	sld [smem:$0x3FFB];
	_ =	sdelay $0x3  }
0x8f: {  	_ =	strace s15  }
0x90: {  	s0 =	sld [smem:$0x3FFC];
	_ =	sdelay $0x3  }
0x91: {  	_ =	strace s0  }
0x92: {  	s0 =	sld [smem:$0x3FFD];
	_ =	sdelay $0x3  }
0x93: {  	_ =	strace s0  }
0x94: {  	_ =	strace $0x8FFFFFFF  }
0x95: {  	s16 =	sld [smem:$0x3FDB];
	_ =	sdelay $0x1  }
0x96: {  	s17 =	simm.s32 $_scs_section_size  }
0x97: {  	s2 =	simm.s32 $_size__tile_overlayer_lowered;
	s3 =	simm.s32 $_tile_overlayer_lowered  }
0x98: {  	s20 =	simm.s32 $0x1BFF;
	s19 =	sshll.u32 s3, $0x1;
	s0 =	sadd.s32 s17, s16  }
0x99: {  	s4 =	simm.s32 $0x0;
	s18 =	sshll.u32 s2, $0x1;
	s2 =	sadd.s32 s19, s0  }
0x9a: {  	[timem:s4], [sflag:s20] =	dma.local [hbm:s2], s18  }
0x9b: {  	_ =	swait.ge [sflag:s20], s18  }
0x9c: {  	s1 =	ssub.s32 $0x0, s18;
	[sflag:s20] =	ssyncset.done $0x0  }
0x9d: {  	[sflag:s20] =	ssyncadd.s32 s1;
	_ =	sdelay $0x1  }
0x9e: {  	s21 =	simm.s32 $0x1B8B  }
0x9f: {  	_ =	swait.ge [sflag:s21], $0x1  }
0xa0: {  	[sflag:s21] =	ssyncset.done $0x0  }
0xa1: {  	s23 =	simm.s32 $0x1B8E;
	s22 =	sld [smem:$0x3FFE];
	[sflag:s21] =	ssyncadd.s32 $0xFFFFFFFF  }
0xa2: {  	s24 =	simm.s32 $execute0_lowered;
	[smem:$0x3FD2] =	sst s23  }
0xa3: {  	s2 =	sshll.u32 s24, $0x1;
	_ =	strace $0x8000004C;
	[dreg:$0x1] =	wrdreg $0xFFFFFFFF  }
0xa4: {  	s25 =	simm.s32 $_size_execute0_lowered;
	s0 =	sadd.s32 s0, s2;
	[dreg:$0x0] =	wrdreg $0x0  }
0xa5: {  	s2 =	sshll.u32 s25, $0x1;
	[dreg:$0x2] =	wrdreg s0  }
0xa6: {  	[dreg:$0x3] =	wrdreg s2  }
0xa7: {  	[dreg:$0x4] =	wrdreg $0xC0  }
0xa8: {  	_ =	task [dreg:s4], $0x5FFFF  }
0xa9: {  	[dreg:$0x1] =	wrdreg $0xFFFFFFFF  }
0xaa: {  	[dreg:$0x0] =	wrdreg $0x60  }
0xab: {  	[dreg:$0x2] =	wrdreg s22  }
0xac: {  	[dreg:$0x3] =	wrdreg $0x9  }
0xad: {  	_ =	task.clear_ibuf [dreg:s4], $0x4FFFF;
	_ =	strace $0x9000004C  }
0xae: {  	s26 =	simm.s32 $0x9;
	_ =	strace $0x8000004E  }
0xaf: {  	_ =	swait.ge [sflag:s26], $0x1  }
0xb0: {  	[sflag:s26] =	ssyncadd.s32 $0xFFFFFFFF  }
0xb1: {  	_ =	strace $0x9000004E  }
0xb2: {  	_ =	sfence  }
0xb3: {  	s28 =	sld [smem:$0x0];
	_ =	sdelay $0x1  }
0xb4: {  	s29 =	srdreg.scid  }
0xb5: {  	s30 =	sshll.u32 s29, $0xD;
	s31 =	sshrl.u32 s29, $0x2  }
0xb6: {  	s1 =	sand.u32 $0x1, s29;
	s2 =	sand.u32 $0x4000, s30;
	s0 =	sadd.s32 s31, s28  }
0xb7: {  	s1 =	sor.u32 s2, s1;
	s0 =	sshll.u32 s0, $0x11  }
0xb8: {  	s0 =	sor.u32 s0, s1  }
0xb9: {  	s0 =	sadd.s32 $0x8F2B, s0  }
0xba: {  	[sflag:s0] =	ssyncadd.remote.s32 $0x1  }
0xbb: {  	_ =	sfence.sel $0xFFFF  }
0xbc: {  	[dreg:$0x0] =	wrdreg $0xFFFFFFFF;
	(pc) =	sbr.abs _section_cstart, $3  }
0xbd: {  	[dreg:$0x1] =	wrdreg $0xFFFFFFFF  }
0xbe: {  	_ =	task.clear_ibuf [dreg:s4], $0x2FFFF;
	_ =	strace $0x9FFFFFFF  }
0xbf: {  	(tm) =	ssettm $0x7FFFFFFF  }
tec
execute0_lowered:
.L_overlay_start_1:
0x0: {  	(tag) =	ssettag $0x1  }
0x1: {  	s8 =	rddreg [dreg:$0x0]  }
0x2: {  	s0 =	rddreg [dreg:$0x1];
	_ =	strace $0x8000004D  }
0x3: {  	s4 =	simm.s32 $0x1;
	s1 =	stileid.u32;
	s7 =	simm.s32 $0x1  }
0x4: {  	s9 =	simm.s32 $0x1;
	s6 =	simm.s32 $0x2;
	s10 =	simm.s32 $0x3  }
0x5: {  	s13 =	simm.s32 $0x0;
	s12 =	simm.s32 $0x0;
	s2 =	sadd.s32 $0x80A00, s8  }
.Ltmp0:
0x6: {  	s3 =	sadd.s32 $0x100A00, s8;
	p0 =	slt.u32 s1, $0xA;
	(pc) =	sbr.rel .LBB2_1-.Ltmp0, $4  }
0x7: {  	[sflag:s4] =	ssyncpa.u1 $0x0;
	s7 =	simm.s32 @!p0 $0x0;
	p0 =	sne.s32 s1, $0x9  }
0x8: {  	s5 =	smul.u32 $0x190, s1;
	[sflag:s6] =	ssyncpa.u1 $0x0;
	s9 =	simm.s32 @!p0 $0x0  }
0x9: {  	s8 =	sadd.s32 $0x101000, s8;
	[sflag:s10] =	ssyncpa.u1 $0x0;
	s7 =	sadd.s32 s9, s7  }
0xa: {  	vm0 =	vmmov $0xffff;
	s10 =	simm.s32 $0x0;
	s11 =	smov.u32 s5;
	s9 =	sadd.s32 $0x1, s7  }
.LBB2_4:
0xb: {  	v2 =	vnsel vm1, $0x0, v2  }
0xc: {  	vm1 =	vgt.s32 v0, $0x0;
	v2 =	vmin.u32 v2, $0x3FFFFF  }
0xd: {  	v0 =	vnsel vm1, $0x0, v0  }
0xe: {  	v0 =	vmin.u32 v0, $0x3FFFFF  }
0xf: {  	[tilespmem:s18], [sflag:$0x1] =	stream.indirect_vreg.gather [hbm4b:s2+s10], $0x1, v1, vm0, $0x4038;
	[tilespmem:$0x640] =	vst v63  }
0x10: {  	(ifvalue) =	ssetifvalue $0x7FFFFFFF  }
0x11: {  	[tilespmem:s15], [sflag:$0x1] =	stream.indirect_vreg.gather [hbm4b:s2+s10], $0x1, v2, vm0, $0x4038;
	[tilespmem:$0x640] =	vst v63  }
0x12: {  	s29 =	sadd.s32 $0x10, s15;
	(ifvalue) =	ssetifvalue $0x7FFFFFFF  }
0x13: {  	[tilespmem:s29], [sflag:$0x1] =	stream.indirect_vreg.gather [hbm4b:s2+s10], $0x1, v0, vm0, $0x4038;
	[tilespmem:$0x640] =	vst v63  }
0x14: {  	_ =	swait.ge [sflag:s4], $0x190  }
0x15: {  	s30 =	sshrl.u32 s13, $0x3;
	[sflag:s4] =	ssyncset.done $0x0  }
0x16: {  	s31 =	sand.u32 $0x7, s13;
	s15 =	sadd.s32 s8, s30;
	[sflag:s4] =	ssyncadd.s32 $0xFFFFFE70  }
0x17: {  	[hbm4b:s15+s31] =	stream.linear.scatter [tilespmem:s14], [sflag:$0x3], $0x190, $0x38;
	[tilespmem:$0x640] =	vst v63  }
.LBB2_5:
0x18: {  	s15 =	sadd.s32 $0x1900, s11  }
0x19: {  	p1 =	sgt.s32 s15, $0x270F  }
0x1a: {  	s15 =	smov.u32 @p1 s5;
	p1 =	sne.s32 s12, s9  }
.Ltmp1:
0x1b: {  	p0 =	slt.u32 s12, $0x2;
	(pc) =	sbr.rel @!p1 .LBB2_6-.Ltmp1, $4  }
0x1c: {  	s14 =	simm.s32 @!p0 $0x3  }
0x1d: {  	_ =	swait.ge @!p0 [sflag:s14], $0x190  }
0x1e: {  	s16 =	sadd.s32 $0x1, s12;
	s13 =	smov.u32 s11;
	[sflag:s14] =	ssyncset.done @!p0 $0x0  }
0x1f: {  	s12 =	smov.u32 s16;
	s11 =	smov.u32 s15;
	[sflag:s14] =	ssyncadd.s32 @!p0 $0xFFFFFE70  }
.LBB2_1:
0x20: {  	p0 =	sge.u32 s12, s7  }
0x21: {  	s14 =	sxor.u32 @!p0 $0x1, s12  }
0x22: {  	s14 =	smul.u32 @!p0 $0x640, s14  }
0x23: {  	s31 =	sadd.s32 $0xFFFFFFFF, s12;
	s15 =	sshrl.u32 @!p0 s11, $0x3  }
0x24: {  	s16 =	sand.u32 @!p0 $0x7, s11;
	s15 =	sadd.s32 @!p0 s3, s15;
	s14 =	sshra.s32 @!p0 s14, $0x2  }
0x25: {  	[tilespmem:s14], [sflag:$0x2] =	stream.linear.gather @!p0 [hbm4b:s15+s16], $0x190, $0x38;
	[tilespmem:$0x640] =	vst v63  }
0x26: {  	p0 =	sge.u32 s31, s7  }
.Ltmp2:
0x27: {  	_ = 	snop;
	(pc) =	sbr.rel @p0 .LBB2_5-.Ltmp2, $1  }
0x28: {  	_ =	sdelay $0x3  }
0x29: {  	s14 =	sand.u32 $0x1, s12  }
0x2a: {  	_ =	swait.ge [sflag:s6], $0x190;
	p0 =	seq.s32 s14, $0x1;
	s14 =	simm.s32 $0x190  }
0x2b: {  	[sflag:s6] =	ssyncset.done $0x0;
	s14 =	simm.s32 @!p0 $0x0  }
0x2c: {  	[sflag:s6] =	ssyncadd.s32 $0xFFFFFE70;
	(ifvalue) =	ssetifvalue $0x7FFFFFFF;
	v0 =	vld.msk [tilespmem:s14+$0x0 ss:$0x1], $0xffff;
	_ =	sdelay $0x4  }
0x2d: {  	s15 =	sadd.s32 $0x10, s14;
	vm1 =	vgt.s32 v0, $0x0  }
0x2e: {  	v2 =	vld.msk [tilespmem:s15+$0x0 ss:$0x1], $0xffff;
	v1 =	vnsel vm1, $0x0, v0  }
0x2f: {  	v1 =	vmin.u32 v1, $0x3FFFFF;
	_ =	sdelay $0x2  }
0x30: {  	s17 =	simm.s32 $0x20;
	s14 =	sadd.s32 $0x320, s14;
	s16 =	sadd.s32 $0x10, s15  }
0x31: {  	s15 =	sadd.s32 $0x10, s14;
	s18 =	smov.u32 s14;
	v0 =	vld.msk [tilespmem:s16+$0x0 ss:$0x1], $0xffff;
	vm1 =	vgt.s32 v2, $0x0;
	(ifvalue) =	ssetifvalue $0x7FFFFFFF  }
.LBB2_3:
0x32: {  	[tilespmem:s18], [sflag:$0x1] =	stream.indirect_vreg.gather [hbm4b:s2+s10], $0x1, v1, vm0, $0x4038;
	[tilespmem:$0x640] =	vst v63  }
0x33: {  	s17 =	sadd.s32 $0x10, s17  }
0x34: {  	v2 =	vnsel vm1, $0x0, v2;
	p0 =	slt.u32 s17, $0x180  }
.Ltmp3:
0x35: {  	s18 =	smov.u32 s15;
	v1 =	vmin.u32 v2, $0x3FFFFF;
	(pc) =	sbr.rel @p0 .LBB2_3-.Ltmp3, $3  }
0x36: {  	_ =	sdelay $0x1  }
0x37: {  	s16 =	sadd.s32 $0x10, s16  }
0x38: {  	vm1 =	vgt.s32 v0, $0x0;
	s15 =	sadd.s32 $0x10, s15;
	v2 =	vmov v0;
	(ifvalue) =	ssetifvalue $0x7FFFFFFF;
	v0 =	vld.msk [tilespmem:s16+$0x0 ss:$0x1], $0xffff  }
.Ltmp4:
0x39: {  	_ = 	snop;
	(pc) =	sbr.rel .LBB2_4-.Ltmp4, $1  }
0x3a: {  	_ =	sdelay $0x3  }
.LBB2_6:
0x3b: {  	_ =	sfence.sel $0x180000  }
0x3c: {  	s2 =	simm.s32 $0x2;
	[bflag:$0x0] =	sbarrier.arrive $0xFFFF  }
0x3d: {  	s30 =	simm.s32 $0x3;
	[sflag:s2] =	ssyncpa.u1 $0x1  }
0x3e: {  	s31 =	simm.s32 $0x1;
	[sflag:s30] =	ssyncpa.u1 $0x1  }
0x3f: {  	[sflag:s31] =	ssyncpa.u1 $0x1  }
0x40: {  	p0 =	sne.s32 s1, $0x0;
	_ =	strace $0x9000004D  }
0x41: {  	s0 =	sadd.s32 @!p0 $0x100000, s0;
	[bflag:$0x2] =	sbarrier.arrive $0xFFFF  }
0x42: {  	[sflag:s0] =	ssyncadd.tile.s32 @!p0 $0x1;
	_ =	shalt  }
.Lfunc_end2:
_tile_overlayer_lowered:
.L_overlay_start_2:
0x43: {  	(tag) =	ssettag $0x2  }
0x44: {  	s0 =	rddreg [dreg:$0x0];
	s2 =	stileid.u32  }
0x45: {  	s1 =	rddreg [dreg:$0x1];
	p0 =	sne.s32 s2, $0x0  }
0x46: {  	s3 =	rddreg [dreg:$0x2];
	[bflag:$0x3] =	sbarrier.arrive $0xFFFF;
	s2 =	simm.s32 @!p0 $0x1C01  }
0x47: {  	[timem:s3], [sflag:s2] =	dma.local @!p0 [hbm:s0], s1  }
0x48: {  	s0 =	simm.s32 @!p0 $0x1  }
0x49: {  	_ =	swait.ge @!p0 [sflag:s0], s1  }
0x4a: {  	s1 =	ssub.s32 @!p0 $0x0, s1;
	[sflag:s0] =	ssyncset.done @!p0 $0x0  }
0x4b: {  	[sflag:s0] =	ssyncadd.s32 @!p0 s1  }
0x4c: {  	[bflag:$0x3] =	sbarrier.arrive $0xFFFF  }
0x4d: {  	_ =	shalt  }

</sc_bundles>
